<compile_context>
chip_gen: v7x
topology: tpu7x:2x2x1
jax: 0.10.2.dev20260603
libtpu: 0.0.44.dev20260713+nightly
codegen_flags: <defaults>
</compile_context>

<pallas_src>
import jax
import jax.numpy as jnp
from jax.experimental import pallas as pl
from jax.experimental.pallas import tpu as pltpu
from jax.experimental.pallas import tpu_sc as plsc

_B = 512
_TB = 16384


def kernel(x, table):
    batch, hist = x.shape
    vocab, dim = table.shape
    xt = x.T

    xt_s = (
        xt.reshape(hist, batch // _TB, 2, _TB // 2)
        .transpose(0, 1, 3, 2)
        .reshape(hist, batch)
    )

    mesh = plsc.VectorSubcoreMesh(core_axis_name="c", subcore_axis_name="s")

    @pl.kernel(
        out_type=jax.ShapeDtypeStruct((hist, batch, dim), table.dtype),
        mesh=mesh,
        compiler_params=pltpu.CompilerParams(use_tc_tiling_on_sc=False),
    )
    def gather_kernel(table_hbm, i_hbm, o_hbm):
        def body(i_vmem, o_vmem):
            pltpu.sync_copy(table_hbm.at[i_vmem.at[0]], o_vmem.at[0])

        pltpu.emit_pipeline(
            body,
            grid=(hist, batch // _B),
            in_specs=[pl.BlockSpec((1, _B), index_map=lambda h, b: (h, b))],
            out_specs=[
                pl.BlockSpec((1, _B, dim), index_map=lambda h, b: (h, b, 0))
            ],
            core_axis_name=("c", "s"),
            dimension_semantics=(pltpu.PARALLEL, pltpu.PARALLEL),
        )(i_hbm, o_hbm)

    g = gather_kernel(table, xt_s)

    g128 = g.reshape(hist, batch // 2, 2 * dim)

    def transpose_body(in_ref, out_ref):
        vt = in_ref[0].T
        out_ref[0] = jnp.concatenate([vt[:dim], vt[dim:]], axis=1)

    out_t = pl.pallas_call(
        transpose_body,
        grid=(hist,),
        in_specs=[
            pl.BlockSpec(
                (1, _TB // 2, 2 * dim), index_map=lambda h: (h, 0, 0)
            )
        ],
        out_specs=pl.BlockSpec((1, dim, _TB), index_map=lambda h: (h, 0, 0)),
        out_shape=jax.ShapeDtypeStruct((hist, dim, batch), table.dtype),
    )(g128)

    return out_t.transpose(2, 0, 1)

# --- scband reference (transcript-rebuilt; emitter-appended) ---
"""Pipeline reference for scband-embedder-21165598835508 (READ-ONLY COPY).

The authoritative reference and input builder live on the scoring server;
editing this copy changes nothing except your own understanding.
"""

import jax, jax.numpy as jnp
import numpy as np

VOCAB = 100000
N_HIDDEN = 64
BATCH = 16384
HIST = 20

def setup_inputs(seed: int = 0) -> dict:
    key = jax.random.key(seed)
    k1, k2 = jax.random.split(key)
    x = jax.random.randint(k1, (BATCH, HIST), 0, VOCAB, dtype=jnp.int64) if jax.config.jax_enable_x64 else jax.random.randint(k1, (BATCH, HIST), 0, VOCAB, dtype=jnp.int32)
    table = jax.random.normal(k2, (VOCAB, N_HIDDEN), dtype=jnp.float32)
    return {"x": x, "table": table}

def reference(x, table):
    # nn.Embedding lookup: gather rows of the table by index
    return jnp.take(table, x, axis=0)

if __name__ == "__main__":
    import jax
    _d = setup_inputs()
    print(jax.jit(kernel)(*tuple(_d.values())))

</pallas_src>

<mosaic_0001>
#map = affine_map<(d0, d1) -> (0, 0)>
#map1 = affine_map<(d0, d1) -> (0, 0, 0)>
module attributes {stable_mosaic.version = 14 : i64} {
  func.func @gather_kernel(%arg0: i32, %arg1: i32, %arg2: memref<100000x64xf32, #tpu.memory_space<hbm>>, %arg3: memref<20x16384xi32, #tpu.memory_space<hbm>>, %arg4: memref<20x16384x64xf32, #tpu.memory_space<hbm>>) attributes {dimension_semantics = [#tpu.dimension_semantics<core_parallel>, #tpu.dimension_semantics<subcore_parallel>], iteration_bounds = array<i64: 2, 16>, scalar_prefetch = 0 : i64, scratch_operands = 0 : i64, tpu.core_type = #tpu.core_type<sc_vector_subcore>, window_params = [{transform_indices = #map}, {transform_indices = #map}, {transform_indices = #map1}]} {
    %mul3A = arith.constant 1 : i32
    %mul3A_0 = arith.muli %arg1, %mul3A : i32
    %add3A = arith.constant 0 : i32
    %add3A_1 = arith.addi %add3A, %mul3A_0 : i32
    %mul3A_2 = arith.constant 16 : i32
    %mul3A_3 = arith.muli %arg0, %mul3A_2 : i32
    %add3A_4 = arith.addi %add3A_1, %mul3A_3 : i32
    %mul3A_5 = arith.constant 1 : i32
    %mul3A_6 = arith.muli %add3A_4, %mul3A_5 : i32
    "tpu.region"() ({
      %run_scoped3A = memref.alloca() : memref<2x1x512xi32, #tpu.memory_space<vmem>>
      %run_scoped3A_7 = tpu.sem_alloc : memref<2x!tpu.dma_semaphore, #tpu.memory_space<semaphore_mem>>
      %run_scoped3A_8 = memref.alloca() : memref<2x1x512x64xf32, #tpu.memory_space<vmem>>
      %run_scoped3A_9 = tpu.sem_alloc : memref<2x!tpu.dma_semaphore, #tpu.memory_space<semaphore_mem>>
      %add3A_10 = arith.constant 0 : i32
      %add3A_11 = arith.addi %add3A_10, %mul3A_6 : i32
      %select_n3A = arith.constant true
      %select_n3A_12 = arith.constant 0 : i32
      %select_n3A_13 = arith.constant -1 : i32
      %select_n3A_14 = arith.select %select_n3A, %select_n3A_13, %select_n3A_12 : i32
      %eq3A = arith.constant -1 : i32
      %eq3A_15 = arith.cmpi eq, %select_n3A_14, %eq3A : i32
      %select_n3A_16 = arith.constant 0 : i32
      %select_n3A_17 = arith.select %eq3A_15, %select_n3A_16, %select_n3A_14 : i32
      %select_n3A_18 = arith.constant 0 : i32
      %select_n3A_19 = arith.constant -1 : i32
      %select_n3A_20 = arith.select %eq3A_15, %select_n3A_19, %select_n3A_18 : i32
      %eq3A_21 = arith.constant -1 : i32
      %eq3A_22 = arith.cmpi eq, %select_n3A_20, %eq3A_21 : i32
      %select_n3A_23 = arith.constant 19 : i32
      %select_n3A_24 = arith.select %eq3A_22, %select_n3A_23, %select_n3A_20 : i32
      %add3A_25 = arith.constant 0 : i32
      %add3A_26 = arith.addi %select_n3A_24, %add3A_25 : i32
      %add3A_27 = arith.constant 0 : i32
      %add3A_28 = arith.addi %add3A_27, %mul3A_6 : i32
      %select_n3A_29 = arith.constant true
      %select_n3A_30 = arith.constant 0 : i32
      %select_n3A_31 = arith.constant 1 : i32
      %select_n3A_32 = arith.select %select_n3A_29, %select_n3A_31, %select_n3A_30 : i32
      %eq3A_33 = arith.constant 1 : i32
      %eq3A_34 = arith.cmpi eq, %select_n3A_32, %eq3A_33 : i32
      %select_n3A_35 = arith.constant 0 : i32
      %select_n3A_36 = arith.select %eq3A_34, %select_n3A_35, %select_n3A_32 : i32
      %select_n3A_37 = arith.constant 0 : i32
      %select_n3A_38 = arith.constant 1 : i32
      %select_n3A_39 = arith.select %eq3A_34, %select_n3A_38, %select_n3A_37 : i32
      %eq3A_40 = arith.constant 20 : i32
      %eq3A_41 = arith.cmpi eq, %select_n3A_39, %eq3A_40 : i32
      %select_n3A_42 = arith.constant 0 : i32
      %select_n3A_43 = arith.select %eq3A_41, %select_n3A_42, %select_n3A_39 : i32
      %add3A_44 = arith.constant 0 : i32
      %add3A_45 = arith.addi %select_n3A_43, %add3A_44 : i32
      %add3A_46 = arith.constant 0 : i32
      %add3A_47 = arith.addi %add3A_46, %mul3A_6 : i32
      %select_n3A_48 = arith.constant true
      %select_n3A_49 = arith.constant 0 : i32
      %select_n3A_50 = arith.constant 1 : i32
      %select_n3A_51 = arith.select %select_n3A_48, %select_n3A_50, %select_n3A_49 : i32
      %eq3A_52 = arith.constant 1 : i32
      %eq3A_53 = arith.cmpi eq, %select_n3A_51, %eq3A_52 : i32
      %select_n3A_54 = arith.constant 0 : i32
      %select_n3A_55 = arith.select %eq3A_53, %select_n3A_54, %select_n3A_51 : i32
      %add3A_56 = arith.constant 1 : i32
      %add3A_57 = arith.addi %select_n3A_43, %add3A_56 : i32
      %select_n3A_58 = arith.select %eq3A_53, %add3A_57, %select_n3A_43 : i32
      %eq3A_59 = arith.constant 20 : i32
      %eq3A_60 = arith.cmpi eq, %select_n3A_58, %eq3A_59 : i32
      %select_n3A_61 = arith.constant 0 : i32
      %select_n3A_62 = arith.select %eq3A_60, %select_n3A_61, %select_n3A_58 : i32
      %add3A_63 = arith.constant 0 : i32
      %add3A_64 = arith.addi %select_n3A_62, %add3A_63 : i32
      %add3A_65 = arith.constant 0 : i32
      %add3A_66 = arith.addi %add3A_65, %mul3A_6 : i32
      "tpu.trace_start"() <{level = 10 : i32, message = "ep_initialize_0"}> : () -> ()
      %rem3A = arith.constant 0 : i32
      %rem3A_67 = arith.constant 2 : i32
      %rem3A_68 = arith.remui %rem3A, %rem3A_67 : i32
      %mul3A_69 = arith.constant 512 : i32
      %mul3A_70 = arith.muli %mul3A_69, %add3A_11 : i32
      %dma_start3A = arith.constant 0 : i32
      %dma_start3A_71 = arith.constant 0 : i32
      %dma_start3A_72 = tpu.memref_slice %run_scoped3A[%rem3A_68, %dma_start3A, %dma_start3A_71] : memref<2x1x512xi32, #tpu.memory_space<vmem>> -> memref<1x1x512xi32, #tpu.memory_space<vmem>>
      %dma_start3A_73 = tpu.memref_squeeze %dma_start3A_72 : memref<1x1x512xi32, #tpu.memory_space<vmem>> -> memref<1x512xi32, #tpu.memory_space<vmem>>
      %dma_start3A_74 = arith.constant 0 : i32
      %dma_start3A_75 = tpu.memref_slice %arg3[%dma_start3A_74, %mul3A_70] : memref<20x16384xi32, #tpu.memory_space<hbm>> -> memref<1x512xi32, #tpu.memory_space<hbm>>
      %dma_start3A_76 = tpu.memref_slice %run_scoped3A_7[%rem3A_68] : memref<2x!tpu.dma_semaphore, #tpu.memory_space<semaphore_mem>> -> memref<1x!tpu.dma_semaphore, #tpu.memory_space<semaphore_mem>>
      %dma_start3A_77 = tpu.memref_squeeze %dma_start3A_76 : memref<1x!tpu.dma_semaphore, #tpu.memory_space<semaphore_mem>> -> memref<!tpu.dma_semaphore, #tpu.memory_space<semaphore_mem>>
      %dma_start3A_78 = arith.constant 0 : i32
      %dma_start3A_79 = arith.constant 0 : i32
      %dma_start3A_80 = tpu.memref_slice %run_scoped3A[%rem3A_68, %dma_start3A_78, %dma_start3A_79] : memref<2x1x512xi32, #tpu.memory_space<vmem>> -> memref<1x1x512xi32, #tpu.memory_space<vmem>>
      %dma_start3A_81 = tpu.memref_squeeze %dma_start3A_80 : memref<1x1x512xi32, #tpu.memory_space<vmem>> -> memref<1x512xi32, #tpu.memory_space<vmem>>
      %dma_start3A_82 = arith.constant 0 : i32
      %dma_start3A_83 = tpu.memref_slice %arg3[%dma_start3A_82, %mul3A_70] : memref<20x16384xi32, #tpu.memory_space<hbm>> -> memref<1x512xi32, #tpu.memory_space<hbm>>
      tpu.enqueue_dma source(%dma_start3A_83 : memref<1x512xi32, #tpu.memory_space<hbm>>) target(%dma_start3A_81 : memref<1x512xi32, #tpu.memory_space<vmem>>) target_semaphore(%dma_start3A_77 : memref<!tpu.dma_semaphore, #tpu.memory_space<semaphore_mem>>)
      %add3A_84 = arith.constant 0 : i32
      %add3A_85 = arith.constant 1 : i32
      %add3A_86 = arith.addi %add3A_84, %add3A_85 : i32
      %select_n3A_87 = arith.constant true
      %select_n3A_88 = arith.constant 0 : i32
      %select_n3A_89 = arith.select %select_n3A_87, %add3A_86, %select_n3A_88 : i32
      "tpu.trace_stop"() : () -> ()
      %scan3A = arith.constant 0 : i32
      %scan3A_90 = arith.constant 0 : i32
      %scan3A_91 = arith.constant 0 : i32
      %scan3A_92 = arith.constant 0 : i32
      %scan3A_93 = arith.constant 0 : i32
      %scan3A_94 = arith.constant 0 : i32
      %scan3A_95 = arith.constant 20 : i32
      %scan3A_96 = arith.addi %scan3A_94, %scan3A_95 : i32
      %scan3A_97 = arith.constant 1 : i32
      %scan3A_98:6 = scf.for %scan3A_196 = %scan3A_94 to %scan3A_96 step %scan3A_97 iter_args(%scan3A_197 = %select_n3A_89, %scan3A_198 = %scan3A, %scan3A_199 = %scan3A_90, %scan3A_200 = %scan3A_91, %scan3A_201 = %scan3A_92, %scan3A_202 = %scan3A_93) -> (i32, i32, i32, i32, i32, i32)  : i32 {
        %eq3A_203 = arith.constant 0 : i32
        %eq3A_204 = arith.cmpi eq, %scan3A_196, %eq3A_203 : i32
        %eq3A_205 = arith.constant 19 : i32
        %eq3A_206 = arith.cmpi eq, %scan3A_196, %eq3A_205 : i32
        %add3A_207 = arith.constant 0 : i32
        %add3A_208 = arith.addi %scan3A_201, %add3A_207 : i32
        %add3A_209 = arith.constant 0 : i32
        %add3A_210 = arith.addi %add3A_209, %mul3A_6 : i32
        %select_n3A_211 = arith.constant true
        %select_n3A_212 = arith.constant 0 : i32
        %select_n3A_213 = arith.constant -1 : i32
        %select_n3A_214 = arith.select %select_n3A_211, %select_n3A_213, %select_n3A_212 : i32
        %eq3A_215 = arith.constant -1 : i32
        %eq3A_216 = arith.cmpi eq, %select_n3A_214, %eq3A_215 : i32
        %select_n3A_217 = arith.constant 0 : i32
        %select_n3A_218 = arith.select %eq3A_216, %select_n3A_217, %select_n3A_214 : i32
        %sub3A_219 = arith.constant 1 : i32
        %sub3A_220 = arith.subi %scan3A_201, %sub3A_219 : i32
        %select_n3A_221 = arith.select %eq3A_216, %sub3A_220, %scan3A_201 : i32
        %eq3A_222 = arith.constant -1 : i32
        %eq3A_223 = arith.cmpi eq, %select_n3A_221, %eq3A_222 : i32
        %select_n3A_224 = arith.constant 19 : i32
        %select_n3A_225 = arith.select %eq3A_223, %select_n3A_224, %select_n3A_221 : i32
        %add3A_226 = arith.constant 0 : i32
        %add3A_227 = arith.addi %select_n3A_225, %add3A_226 : i32
        %add3A_228 = arith.constant 0 : i32
        %add3A_229 = arith.addi %add3A_228, %mul3A_6 : i32
        %select_n3A_230 = arith.constant true
        %select_n3A_231 = arith.constant 0 : i32
        %select_n3A_232 = arith.constant 1 : i32
        %select_n3A_233 = arith.select %select_n3A_230, %select_n3A_232, %select_n3A_231 : i32
        %eq3A_234 = arith.constant 1 : i32
        %eq3A_235 = arith.cmpi eq, %select_n3A_233, %eq3A_234 : i32
        %select_n3A_236 = arith.constant 0 : i32
        %select_n3A_237 = arith.select %eq3A_235, %select_n3A_236, %select_n3A_233 : i32
        %add3A_238 = arith.constant 1 : i32
        %add3A_239 = arith.addi %scan3A_201, %add3A_238 : i32
        %select_n3A_240 = arith.select %eq3A_235, %add3A_239, %scan3A_201 : i32
        %eq3A_241 = arith.constant 20 : i32
        %eq3A_242 = arith.cmpi eq, %select_n3A_240, %eq3A_241 : i32
        %select_n3A_243 = arith.constant 0 : i32
        %select_n3A_244 = arith.select %eq3A_242, %select_n3A_243, %select_n3A_240 : i32
        %add3A_245 = arith.constant 0 : i32
        %add3A_246 = arith.addi %select_n3A_244, %add3A_245 : i32
        %add3A_247 = arith.constant 0 : i32
        %add3A_248 = arith.addi %add3A_247, %mul3A_6 : i32
        %select_n3A_249 = arith.constant true
        %select_n3A_250 = arith.constant 0 : i32
        %select_n3A_251 = arith.constant 1 : i32
        %select_n3A_252 = arith.select %select_n3A_249, %select_n3A_251, %select_n3A_250 : i32
        %eq3A_253 = arith.constant 1 : i32
        %eq3A_254 = arith.cmpi eq, %select_n3A_252, %eq3A_253 : i32
        %select_n3A_255 = arith.constant 0 : i32
        %select_n3A_256 = arith.select %eq3A_254, %select_n3A_255, %select_n3A_252 : i32
        %add3A_257 = arith.constant 1 : i32
        %add3A_258 = arith.addi %select_n3A_244, %add3A_257 : i32
        %select_n3A_259 = arith.select %eq3A_254, %add3A_258, %select_n3A_244 : i32
        %eq3A_260 = arith.constant 20 : i32
        %eq3A_261 = arith.cmpi eq, %select_n3A_259, %eq3A_260 : i32
        %select_n3A_262 = arith.constant 0 : i32
        %select_n3A_263 = arith.select %eq3A_261, %select_n3A_262, %select_n3A_259 : i32
        %add3A_264 = arith.constant 0 : i32
        %add3A_265 = arith.addi %select_n3A_263, %add3A_264 : i32
        %add3A_266 = arith.constant 0 : i32
        %add3A_267 = arith.addi %add3A_266, %mul3A_6 : i32
        %ne3A = arith.cmpi ne, %add3A_208, %add3A_246 : i32
        %ne3A_268 = arith.cmpi ne, %add3A_210, %add3A_248 : i32
        %or3A = arith.constant false
        %or3A_269 = arith.ori %or3A, %ne3A : i1
        %or3A_270 = arith.ori %or3A_269, %ne3A_268 : i1
        %ge3A = arith.constant 19 : i32
        %ge3A_271 = arith.cmpi sge, %scan3A_196, %ge3A : i32
        %not3A = arith.constant true
        %not3A_272 = arith.xori %ge3A_271, %not3A : i1
        %and3A = arith.andi %or3A_270, %not3A_272 : i1
        %convert_element_type3A = arith.extui %and3A : i1 to i32
        %cond3A = arith.constant 0 : i32
        %cond3A_273 = arith.cmpi ne, %convert_element_type3A, %cond3A : i32
        scf.if %cond3A_273 {
          "tpu.trace_start"() <{level = 10 : i32, message = "ep_copy_in"}> : () -> ()
          %rem3A_400 = arith.constant 2 : i32
          %rem3A_401 = arith.remui %scan3A_197, %rem3A_400 : i32
          %mul3A_402 = arith.constant 1 : i32
          %mul3A_403 = arith.muli %mul3A_402, %add3A_246 : i32
          %mul3A_404 = arith.constant 512 : i32
          %mul3A_405 = arith.muli %mul3A_404, %add3A_248 : i32
          %dma_start3A_406 = arith.constant 0 : i32
          %dma_start3A_407 = arith.constant 0 : i32
          %dma_start3A_408 = tpu.memref_slice %run_scoped3A[%rem3A_401, %dma_start3A_406, %dma_start3A_407] : memref<2x1x512xi32, #tpu.memory_space<vmem>> -> memref<1x1x512xi32, #tpu.memory_space<vmem>>
          %dma_start3A_409 = tpu.memref_squeeze %dma_start3A_408 : memref<1x1x512xi32, #tpu.memory_space<vmem>> -> memref<1x512xi32, #tpu.memory_space<vmem>>
          %dma_start3A_410 = tpu.memref_slice %arg3[%mul3A_403, %mul3A_405] : memref<20x16384xi32, #tpu.memory_space<hbm>> -> memref<1x512xi32, #tpu.memory_space<hbm>>
          %dma_start3A_411 = tpu.memref_slice %run_scoped3A_7[%rem3A_401] : memref<2x!tpu.dma_semaphore, #tpu.memory_space<semaphore_mem>> -> memref<1x!tpu.dma_semaphore, #tpu.memory_space<semaphore_mem>>
          %dma_start3A_412 = tpu.memref_squeeze %dma_start3A_411 : memref<1x!tpu.dma_semaphore, #tpu.memory_space<semaphore_mem>> -> memref<!tpu.dma_semaphore, #tpu.memory_space<semaphore_mem>>
          %dma_start3A_413 = arith.constant 0 : i32
          %dma_start3A_414 = arith.constant 0 : i32
          %dma_start3A_415 = tpu.memref_slice %run_scoped3A[%rem3A_401, %dma_start3A_413, %dma_start3A_414] : memref<2x1x512xi32, #tpu.memory_space<vmem>> -> memref<1x1x512xi32, #tpu.memory_space<vmem>>
          %dma_start3A_416 = tpu.memref_squeeze %dma_start3A_415 : memref<1x1x512xi32, #tpu.memory_space<vmem>> -> memref<1x512xi32, #tpu.memory_space<vmem>>
          %dma_start3A_417 = tpu.memref_slice %arg3[%mul3A_403, %mul3A_405] : memref<20x16384xi32, #tpu.memory_space<hbm>> -> memref<1x512xi32, #tpu.memory_space<hbm>>
          tpu.enqueue_dma source(%dma_start3A_417 : memref<1x512xi32, #tpu.memory_space<hbm>>) target(%dma_start3A_416 : memref<1x512xi32, #tpu.memory_space<vmem>>) target_semaphore(%dma_start3A_412 : memref<!tpu.dma_semaphore, #tpu.memory_space<semaphore_mem>>)
          "tpu.trace_stop"() : () -> ()
        } else {
        }
        %and3A_274 = arith.constant true
        %and3A_275 = arith.andi %and3A, %and3A_274 : i1
        %add3A_276 = arith.constant 1 : i32
        %add3A_277 = arith.addi %scan3A_197, %add3A_276 : i32
        %select_n3A_278 = arith.select %and3A_275, %add3A_277, %scan3A_197 : i32
        %ne3A_279 = arith.cmpi ne, %add3A_208, %add3A_246 : i32
        %ne3A_280 = arith.cmpi ne, %add3A_210, %add3A_248 : i32
        %or3A_281 = arith.constant false
        %or3A_282 = arith.ori %or3A_281, %ne3A_279 : i1
        %or3A_283 = arith.ori %or3A_282, %ne3A_280 : i1
        %or3A_284 = arith.constant false
        %or3A_285 = arith.ori %or3A_283, %or3A_284 : i1
        %ge3A_286 = arith.constant 19 : i32
        %ge3A_287 = arith.cmpi sge, %scan3A_196, %ge3A_286 : i32
        %not3A_288 = arith.constant true
        %not3A_289 = arith.xori %ge3A_287, %not3A_288 : i1
        %and3A_290 = arith.andi %or3A_285, %not3A_289 : i1
        %ne3A_291 = arith.cmpi ne, %add3A_208, %add3A_227 : i32
        %ne3A_292 = arith.cmpi ne, %add3A_210, %add3A_229 : i32
        %or3A_293 = arith.constant false
        %or3A_294 = arith.ori %or3A_293, %ne3A_291 : i1
        %or3A_295 = arith.ori %or3A_294, %ne3A_292 : i1
        %or3A_296 = arith.ori %or3A_295, %eq3A_204 : i1
        %convert_element_type3A_297 = arith.extui %or3A_296 : i1 to i32
        %cond3A_298 = arith.constant 0 : i32
        %cond3A_299 = arith.cmpi ne, %convert_element_type3A_297, %cond3A_298 : i32
        scf.if %cond3A_299 {
          "tpu.trace_start"() <{level = 10 : i32, message = "ep_wait_in"}> : () -> ()
          %mul3A_400 = arith.constant 1 : i32
          %mul3A_401 = arith.muli %mul3A_400, %add3A_208 : i32
          %mul3A_402 = arith.constant 512 : i32
          %mul3A_403 = arith.muli %mul3A_402, %add3A_210 : i32
          %rem3A_404 = arith.constant 2 : i32
          %rem3A_405 = arith.remui %scan3A_198, %rem3A_404 : i32
          %dma_wait3A_406 = arith.constant 0 : i32
          %dma_wait3A_407 = arith.constant 0 : i32
          %dma_wait3A_408 = tpu.memref_slice %run_scoped3A[%rem3A_405, %dma_wait3A_406, %dma_wait3A_407] : memref<2x1x512xi32, #tpu.memory_space<vmem>> -> memref<1x1x512xi32, #tpu.memory_space<vmem>>
          %dma_wait3A_409 = tpu.memref_squeeze %dma_wait3A_408 : memref<1x1x512xi32, #tpu.memory_space<vmem>> -> memref<1x512xi32, #tpu.memory_space<vmem>>
          %dma_wait3A_410 = tpu.memref_slice %arg3[%mul3A_401, %mul3A_403] : memref<20x16384xi32, #tpu.memory_space<hbm>> -> memref<1x512xi32, #tpu.memory_space<hbm>>
          %dma_wait3A_411 = tpu.memref_slice %run_scoped3A_7[%rem3A_405] : memref<2x!tpu.dma_semaphore, #tpu.memory_space<semaphore_mem>> -> memref<1x!tpu.dma_semaphore, #tpu.memory_space<semaphore_mem>>
          %dma_wait3A_412 = tpu.memref_squeeze %dma_wait3A_411 : memref<1x!tpu.dma_semaphore, #tpu.memory_space<semaphore_mem>> -> memref<!tpu.dma_semaphore, #tpu.memory_space<semaphore_mem>>
          %dma_wait3A_413 = arith.constant 0 : i32
          %dma_wait3A_414 = arith.constant 0 : i32
          %dma_wait3A_415 = tpu.memref_slice %run_scoped3A[%rem3A_405, %dma_wait3A_413, %dma_wait3A_414] : memref<2x1x512xi32, #tpu.memory_space<vmem>> -> memref<1x1x512xi32, #tpu.memory_space<vmem>>
          %dma_wait3A_416 = tpu.memref_squeeze %dma_wait3A_415 : memref<1x1x512xi32, #tpu.memory_space<vmem>> -> memref<1x512xi32, #tpu.memory_space<vmem>>
          %dma_wait3A_417 = tpu.memref_slice %arg3[%mul3A_401, %mul3A_403] : memref<20x16384xi32, #tpu.memory_space<hbm>> -> memref<1x512xi32, #tpu.memory_space<hbm>>
          tpu.wait_dma2 semaphore(%dma_wait3A_412 : memref<!tpu.dma_semaphore, #tpu.memory_space<semaphore_mem>>) src(%dma_wait3A_417 : memref<1x512xi32, #tpu.memory_space<hbm>>) dst(%dma_wait3A_416 : memref<1x512xi32, #tpu.memory_space<vmem>>)
          "tpu.trace_stop"() : () -> ()
        } else {
        }
        %ne3A_300 = arith.cmpi ne, %add3A_208, %add3A_227 : i32
        %ne3A_301 = arith.cmpi ne, %add3A_210, %add3A_229 : i32
        %or3A_302 = arith.constant false
        %or3A_303 = arith.ori %or3A_302, %ne3A_300 : i1
        %or3A_304 = arith.ori %or3A_303, %ne3A_301 : i1
        %or3A_305 = arith.constant false
        %or3A_306 = arith.ori %or3A_304, %or3A_305 : i1
        %or3A_307 = arith.ori %or3A_306, %eq3A_204 : i1
        %convert_element_type3A_308 = arith.extui %or3A_307 : i1 to i32
        %cond3A_309 = arith.constant 0 : i32
        %cond3A_310 = arith.cmpi ne, %convert_element_type3A_308, %cond3A_309 : i32
        scf.if %cond3A_310 {
        } else {
        }
        %rem3A_311 = arith.constant 2 : i32
        %rem3A_312 = arith.remui %scan3A_198, %rem3A_311 : i32
        %rem3A_313 = arith.constant 2 : i32
        %rem3A_314 = arith.remui %scan3A_199, %rem3A_313 : i32
        %run_scoped3A_315 = arith.constant 0 : i32
        %run_scoped3A_316 = arith.constant 0 : i32
        "tpu.trace_start"() <{level = 10 : i32, message = "ep_run_kernel"}> : () -> ()
        "tpu.region"() ({
          %run_scoped3A_400 = tpu.sem_alloc : memref<!tpu.dma_semaphore, #tpu.memory_space<semaphore_mem>>
          %dma_start3A_401 = arith.constant 0 : i32
          %dma_start3A_402 = arith.constant 0 : i32
          %dma_start3A_403 = arith.constant 0 : i32
          %dma_start3A_404 = tpu.memref_slice %run_scoped3A_8[%rem3A_314, %dma_start3A_401, %dma_start3A_402, %dma_start3A_403] : memref<2x1x512x64xf32, #tpu.memory_space<vmem>> -> memref<1x1x512x64xf32, #tpu.memory_space<vmem>>
          %dma_start3A_405 = tpu.memref_squeeze %dma_start3A_404 : memref<1x1x512x64xf32, #tpu.memory_space<vmem>> -> memref<1x512x64xf32, #tpu.memory_space<vmem>>
          %dma_start3A_406 = arith.constant 0 : i32
          %dma_start3A_407 = arith.constant 0 : i32
          %dma_start3A_408 = tpu.memref_slice %dma_start3A_405[%run_scoped3A_316, %dma_start3A_406, %dma_start3A_407] : memref<1x512x64xf32, #tpu.memory_space<vmem>> -> memref<1x512x64xf32, #tpu.memory_space<vmem>>
          %dma_start3A_409 = tpu.memref_squeeze %dma_start3A_408 : memref<1x512x64xf32, #tpu.memory_space<vmem>> -> memref<512x64xf32, #tpu.memory_space<vmem>>
          %dma_start3A_410 = arith.constant 0 : i32
          %dma_start3A_411 = arith.constant 0 : i32
          %dma_start3A_412 = tpu.memref_slice %run_scoped3A[%rem3A_312, %dma_start3A_410, %dma_start3A_411] : memref<2x1x512xi32, #tpu.memory_space<vmem>> -> memref<1x1x512xi32, #tpu.memory_space<vmem>>
          %dma_start3A_413 = tpu.memref_squeeze %dma_start3A_412 : memref<1x1x512xi32, #tpu.memory_space<vmem>> -> memref<1x512xi32, #tpu.memory_space<vmem>>
          %dma_start3A_414 = arith.constant 0 : i32
          %dma_start3A_415 = tpu.memref_slice %dma_start3A_413[%run_scoped3A_315, %dma_start3A_414] : memref<1x512xi32, #tpu.memory_space<vmem>> -> memref<1x512xi32, #tpu.memory_space<vmem>>
          %dma_start3A_416 = tpu.memref_squeeze %dma_start3A_415 : memref<1x512xi32, #tpu.memory_space<vmem>> -> memref<512xi32, #tpu.memory_space<vmem>>
          %dma_start3A_417 = arith.constant 0 : i32
          %dma_start3A_418 = arith.constant 0 : i32
          %dma_start3A_419 = tpu.memref_slice %arg2[%dma_start3A_417, %dma_start3A_418] : memref<100000x64xf32, #tpu.memory_space<hbm>> -> memref<100000x64xf32, #tpu.memory_space<hbm>>
          tpu.enqueue_indirect_dma source(%dma_start3A_419 : memref<100000x64xf32, #tpu.memory_space<hbm>>) target(%dma_start3A_409 : memref<512x64xf32, #tpu.memory_space<vmem>>) offsets(%dma_start3A_416 : memref<512xi32, #tpu.memory_space<vmem>>) semaphore(%run_scoped3A_400 : memref<!tpu.dma_semaphore, #tpu.memory_space<semaphore_mem>>)
          %dma_wait3A_420 = arith.constant 0 : i32
          %dma_wait3A_421 = arith.constant 0 : i32
          %dma_wait3A_422 = arith.constant 0 : i32
          %dma_wait3A_423 = tpu.memref_slice %run_scoped3A_8[%rem3A_314, %dma_wait3A_420, %dma_wait3A_421, %dma_wait3A_422] : memref<2x1x512x64xf32, #tpu.memory_space<vmem>> -> memref<1x1x512x64xf32, #tpu.memory_space<vmem>>
          %dma_wait3A_424 = tpu.memref_squeeze %dma_wait3A_423 : memref<1x1x512x64xf32, #tpu.memory_space<vmem>> -> memref<1x512x64xf32, #tpu.memory_space<vmem>>
          %dma_wait3A_425 = arith.constant 0 : i32
          %dma_wait3A_426 = arith.constant 0 : i32
          %dma_wait3A_427 = tpu.memref_slice %dma_wait3A_424[%run_scoped3A_316, %dma_wait3A_425, %dma_wait3A_426] : memref<1x512x64xf32, #tpu.memory_space<vmem>> -> memref<1x512x64xf32, #tpu.memory_space<vmem>>
          %dma_wait3A_428 = tpu.memref_squeeze %dma_wait3A_427 : memref<1x512x64xf32, #tpu.memory_space<vmem>> -> memref<512x64xf32, #tpu.memory_space<vmem>>
          %dma_wait3A_429 = arith.constant 0 : i32
          %dma_wait3A_430 = arith.constant 0 : i32
          %dma_wait3A_431 = tpu.memref_slice %run_scoped3A[%rem3A_312, %dma_wait3A_429, %dma_wait3A_430] : memref<2x1x512xi32, #tpu.memory_space<vmem>> -> memref<1x1x512xi32, #tpu.memory_space<vmem>>
          %dma_wait3A_432 = tpu.memref_squeeze %dma_wait3A_431 : memref<1x1x512xi32, #tpu.memory_space<vmem>> -> memref<1x512xi32, #tpu.memory_space<vmem>>
          %dma_wait3A_433 = arith.constant 0 : i32
          %dma_wait3A_434 = tpu.memref_slice %dma_wait3A_432[%run_scoped3A_315, %dma_wait3A_433] : memref<1x512xi32, #tpu.memory_space<vmem>> -> memref<1x512xi32, #tpu.memory_space<vmem>>
          %dma_wait3A_435 = tpu.memref_squeeze %dma_wait3A_434 : memref<1x512xi32, #tpu.memory_space<vmem>> -> memref<512xi32, #tpu.memory_space<vmem>>
          %dma_wait3A_436 = arith.constant 0 : i32
          %dma_wait3A_437 = arith.constant 0 : i32
          %dma_wait3A_438 = tpu.memref_slice %arg2[%dma_wait3A_436, %dma_wait3A_437] : memref<100000x64xf32, #tpu.memory_space<hbm>> -> memref<100000x64xf32, #tpu.memory_space<hbm>>
          tpu.wait_indirect_dma semaphore(%run_scoped3A_400 : memref<!tpu.dma_semaphore, #tpu.memory_space<semaphore_mem>>) src(%dma_wait3A_438 : memref<100000x64xf32, #tpu.memory_space<hbm>>) dst(%dma_wait3A_428 : memref<512x64xf32, #tpu.memory_space<vmem>>)
          tpu.yield
        }) : () -> ()
        "tpu.trace_stop"() : () -> ()
        %ne3A_317 = arith.cmpi ne, %add3A_208, %add3A_246 : i32
        %ne3A_318 = arith.cmpi ne, %add3A_210, %add3A_248 : i32
        %or3A_319 = arith.constant false
        %or3A_320 = arith.ori %or3A_319, %ne3A_317 : i1
        %or3A_321 = arith.ori %or3A_320, %ne3A_318 : i1
        %or3A_322 = arith.ori %or3A_321, %eq3A_206 : i1
        %convert_element_type3A_323 = arith.extui %or3A_322 : i1 to i32
        %cond3A_324 = arith.constant 0 : i32
        %cond3A_325 = arith.cmpi ne, %convert_element_type3A_323, %cond3A_324 : i32
        scf.if %cond3A_325 {
        } else {
        }
        %and3A_326 = arith.constant false
        %and3A_327 = arith.andi %or3A_322, %and3A_326 : i1
        %ne3A_328 = arith.cmpi ne, %add3A_208, %add3A_246 : i32
        %ne3A_329 = arith.cmpi ne, %add3A_210, %add3A_248 : i32
        %or3A_330 = arith.constant false
        %or3A_331 = arith.ori %or3A_330, %ne3A_328 : i1
        %or3A_332 = arith.ori %or3A_331, %ne3A_329 : i1
        %or3A_333 = arith.constant false
        %or3A_334 = arith.ori %or3A_332, %or3A_333 : i1
        %or3A_335 = arith.ori %or3A_334, %eq3A_206 : i1
        %convert_element_type3A_336 = arith.extui %or3A_335 : i1 to i32
        %cond3A_337 = arith.constant 0 : i32
        %cond3A_338 = arith.cmpi ne, %convert_element_type3A_336, %cond3A_337 : i32
        scf.if %cond3A_338 {
          "tpu.trace_start"() <{level = 10 : i32, message = "ep_copy_out"}> : () -> ()
          %rem3A_400 = arith.constant 2 : i32
          %rem3A_401 = arith.remui %scan3A_199, %rem3A_400 : i32
          %mul3A_402 = arith.constant 1 : i32
          %mul3A_403 = arith.muli %mul3A_402, %add3A_208 : i32
          %mul3A_404 = arith.constant 512 : i32
          %mul3A_405 = arith.muli %mul3A_404, %add3A_210 : i32
          %dma_start3A_406 = arith.constant 0 : i32
          %dma_start3A_407 = arith.constant 0 : i32
          %dma_start3A_408 = arith.constant 0 : i32
          %dma_start3A_409 = tpu.memref_slice %run_scoped3A_8[%rem3A_401, %dma_start3A_406, %dma_start3A_407, %dma_start3A_408] : memref<2x1x512x64xf32, #tpu.memory_space<vmem>> -> memref<1x1x512x64xf32, #tpu.memory_space<vmem>>
          %dma_start3A_410 = tpu.memref_squeeze %dma_start3A_409 : memref<1x1x512x64xf32, #tpu.memory_space<vmem>> -> memref<1x512x64xf32, #tpu.memory_space<vmem>>
          %dma_start3A_411 = arith.constant 0 : i32
          %dma_start3A_412 = tpu.memref_slice %arg4[%mul3A_403, %mul3A_405, %dma_start3A_411] : memref<20x16384x64xf32, #tpu.memory_space<hbm>> -> memref<1x512x64xf32, #tpu.memory_space<hbm>>
          %dma_start3A_413 = tpu.memref_slice %run_scoped3A_9[%rem3A_401] : memref<2x!tpu.dma_semaphore, #tpu.memory_space<semaphore_mem>> -> memref<1x!tpu.dma_semaphore, #tpu.memory_space<semaphore_mem>>
          %dma_start3A_414 = tpu.memref_squeeze %dma_start3A_413 : memref<1x!tpu.dma_semaphore, #tpu.memory_space<semaphore_mem>> -> memref<!tpu.dma_semaphore, #tpu.memory_space<semaphore_mem>>
          %dma_start3A_415 = arith.constant 0 : i32
          %dma_start3A_416 = tpu.memref_slice %arg4[%mul3A_403, %mul3A_405, %dma_start3A_415] : memref<20x16384x64xf32, #tpu.memory_space<hbm>> -> memref<1x512x64xf32, #tpu.memory_space<hbm>>
          %dma_start3A_417 = arith.constant 0 : i32
          %dma_start3A_418 = arith.constant 0 : i32
          %dma_start3A_419 = arith.constant 0 : i32
          %dma_start3A_420 = tpu.memref_slice %run_scoped3A_8[%rem3A_401, %dma_start3A_417, %dma_start3A_418, %dma_start3A_419] : memref<2x1x512x64xf32, #tpu.memory_space<vmem>> -> memref<1x1x512x64xf32, #tpu.memory_space<vmem>>
          %dma_start3A_421 = tpu.memref_squeeze %dma_start3A_420 : memref<1x1x512x64xf32, #tpu.memory_space<vmem>> -> memref<1x512x64xf32, #tpu.memory_space<vmem>>
          tpu.enqueue_dma source(%dma_start3A_421 : memref<1x512x64xf32, #tpu.memory_space<vmem>>) target(%dma_start3A_416 : memref<1x512x64xf32, #tpu.memory_space<hbm>>) target_semaphore(%dma_start3A_414 : memref<!tpu.dma_semaphore, #tpu.memory_space<semaphore_mem>>)
          "tpu.trace_stop"() : () -> ()
        } else {
        }
        %and3A_339 = arith.constant true
        %and3A_340 = arith.andi %or3A_335, %and3A_339 : i1
        %add3A_341 = arith.constant 1 : i32
        %add3A_342 = arith.addi %scan3A_199, %add3A_341 : i32
        %select_n3A_343 = arith.select %and3A_340, %add3A_342, %scan3A_199 : i32
        %ne3A_344 = arith.cmpi ne, %add3A_208, %add3A_227 : i32
        %ne3A_345 = arith.cmpi ne, %add3A_210, %add3A_229 : i32
        %or3A_346 = arith.constant false
        %or3A_347 = arith.ori %or3A_346, %ne3A_344 : i1
        %or3A_348 = arith.ori %or3A_347, %ne3A_345 : i1
        %not3A_349 = arith.constant true
        %not3A_350 = arith.xori %eq3A_204, %not3A_349 : i1
        %and3A_351 = arith.andi %or3A_348, %not3A_350 : i1
        %convert_element_type3A_352 = arith.extui %and3A_351 : i1 to i32
        %cond3A_353 = arith.constant 0 : i32
        %cond3A_354 = arith.cmpi ne, %convert_element_type3A_352, %cond3A_353 : i32
        scf.if %cond3A_354 {
        } else {
        }
        %and3A_355 = arith.constant false
        %and3A_356 = arith.andi %and3A_351, %and3A_355 : i1
        %ne3A_357 = arith.cmpi ne, %add3A_208, %add3A_227 : i32
        %ne3A_358 = arith.cmpi ne, %add3A_210, %add3A_229 : i32
        %or3A_359 = arith.constant false
        %or3A_360 = arith.ori %or3A_359, %ne3A_357 : i1
        %or3A_361 = arith.ori %or3A_360, %ne3A_358 : i1
        %or3A_362 = arith.constant false
        %or3A_363 = arith.ori %or3A_361, %or3A_362 : i1
        %not3A_364 = arith.constant true
        %not3A_365 = arith.xori %eq3A_204, %not3A_364 : i1
        %and3A_366 = arith.andi %or3A_363, %not3A_365 : i1
        %convert_element_type3A_367 = arith.extui %and3A_366 : i1 to i32
        %cond3A_368 = arith.constant 0 : i32
        %cond3A_369 = arith.cmpi ne, %convert_element_type3A_367, %cond3A_368 : i32
        scf.if %cond3A_369 {
          "tpu.trace_start"() <{level = 10 : i32, message = "ep_wait_out"}> : () -> ()
          %rem3A_400 = arith.constant 2 : i32
          %rem3A_401 = arith.remui %scan3A_200, %rem3A_400 : i32
          %mul3A_402 = arith.constant 1 : i32
          %mul3A_403 = arith.muli %mul3A_402, %add3A_227 : i32
          %mul3A_404 = arith.constant 512 : i32
          %mul3A_405 = arith.muli %mul3A_404, %add3A_229 : i32
          %dma_wait3A_406 = arith.constant 0 : i32
          %dma_wait3A_407 = arith.constant 0 : i32
          %dma_wait3A_408 = arith.constant 0 : i32
          %dma_wait3A_409 = tpu.memref_slice %run_scoped3A_8[%rem3A_401, %dma_wait3A_406, %dma_wait3A_407, %dma_wait3A_408] : memref<2x1x512x64xf32, #tpu.memory_space<vmem>> -> memref<1x1x512x64xf32, #tpu.memory_space<vmem>>
          %dma_wait3A_410 = tpu.memref_squeeze %dma_wait3A_409 : memref<1x1x512x64xf32, #tpu.memory_space<vmem>> -> memref<1x512x64xf32, #tpu.memory_space<vmem>>
          %dma_wait3A_411 = arith.constant 0 : i32
          %dma_wait3A_412 = tpu.memref_slice %arg4[%mul3A_403, %mul3A_405, %dma_wait3A_411] : memref<20x16384x64xf32, #tpu.memory_space<hbm>> -> memref<1x512x64xf32, #tpu.memory_space<hbm>>
          %dma_wait3A_413 = tpu.memref_slice %run_scoped3A_9[%rem3A_401] : memref<2x!tpu.dma_semaphore, #tpu.memory_space<semaphore_mem>> -> memref<1x!tpu.dma_semaphore, #tpu.memory_space<semaphore_mem>>
          %dma_wait3A_414 = tpu.memref_squeeze %dma_wait3A_413 : memref<1x!tpu.dma_semaphore, #tpu.memory_space<semaphore_mem>> -> memref<!tpu.dma_semaphore, #tpu.memory_space<semaphore_mem>>
          %dma_wait3A_415 = arith.constant 0 : i32
          %dma_wait3A_416 = tpu.memref_slice %arg4[%mul3A_403, %mul3A_405, %dma_wait3A_415] : memref<20x16384x64xf32, #tpu.memory_space<hbm>> -> memref<1x512x64xf32, #tpu.memory_space<hbm>>
          %dma_wait3A_417 = arith.constant 0 : i32
          %dma_wait3A_418 = arith.constant 0 : i32
          %dma_wait3A_419 = arith.constant 0 : i32
          %dma_wait3A_420 = tpu.memref_slice %run_scoped3A_8[%rem3A_401, %dma_wait3A_417, %dma_wait3A_418, %dma_wait3A_419] : memref<2x1x512x64xf32, #tpu.memory_space<vmem>> -> memref<1x1x512x64xf32, #tpu.memory_space<vmem>>
          %dma_wait3A_421 = tpu.memref_squeeze %dma_wait3A_420 : memref<1x1x512x64xf32, #tpu.memory_space<vmem>> -> memref<1x512x64xf32, #tpu.memory_space<vmem>>
          tpu.wait_dma2 semaphore(%dma_wait3A_414 : memref<!tpu.dma_semaphore, #tpu.memory_space<semaphore_mem>>) src(%dma_wait3A_421 : memref<1x512x64xf32, #tpu.memory_space<vmem>>) dst(%dma_wait3A_416 : memref<1x512x64xf32, #tpu.memory_space<hbm>>)
          "tpu.trace_stop"() : () -> ()
        } else {
        }
        %and3A_370 = arith.constant true
        %and3A_371 = arith.andi %and3A_366, %and3A_370 : i1
        %add3A_372 = arith.constant 1 : i32
        %add3A_373 = arith.addi %scan3A_200, %add3A_372 : i32
        %select_n3A_374 = arith.select %and3A_371, %add3A_373, %scan3A_200 : i32
        %ne3A_375 = arith.cmpi ne, %add3A_208, %add3A_246 : i32
        %ne3A_376 = arith.cmpi ne, %add3A_210, %add3A_248 : i32
        %or3A_377 = arith.constant false
        %or3A_378 = arith.ori %or3A_377, %ne3A_375 : i1
        %or3A_379 = arith.ori %or3A_378, %ne3A_376 : i1
        %or3A_380 = arith.ori %or3A_379, %eq3A_206 : i1
        %add3A_381 = arith.constant 1 : i32
        %add3A_382 = arith.addi %scan3A_198, %add3A_381 : i32
        %select_n3A_383 = arith.select %or3A_380, %add3A_382, %scan3A_198 : i32
        %select_n3A_384 = arith.constant true
        %select_n3A_385 = arith.constant 0 : i32
        %select_n3A_386 = arith.constant 1 : i32
        %select_n3A_387 = arith.select %select_n3A_384, %select_n3A_386, %select_n3A_385 : i32
        %eq3A_388 = arith.constant 1 : i32
        %eq3A_389 = arith.cmpi eq, %select_n3A_387, %eq3A_388 : i32
        %select_n3A_390 = arith.constant 0 : i32
        %select_n3A_391 = arith.select %eq3A_389, %select_n3A_390, %select_n3A_387 : i32
        %add3A_392 = arith.constant 1 : i32
        %add3A_393 = arith.addi %scan3A_201, %add3A_392 : i32
        %select_n3A_394 = arith.select %eq3A_389, %add3A_393, %scan3A_201 : i32
        %eq3A_395 = arith.constant 20 : i32
        %eq3A_396 = arith.cmpi eq, %select_n3A_394, %eq3A_395 : i32
        %select_n3A_397 = arith.constant 0 : i32
        %select_n3A_398 = arith.select %eq3A_396, %select_n3A_397, %select_n3A_394 : i32
        %scan3A_399 = arith.constant 0 : i32
        scf.yield %select_n3A_278, %select_n3A_383, %select_n3A_343, %select_n3A_374, %select_n3A_398, %scan3A_399 : i32, i32, i32, i32, i32, i32
      }
      %scan3A_99 = arith.constant 20 : i32
      %sub3A = arith.constant 1 : i32
      %sub3A_100 = arith.subi %scan3A_98#5, %sub3A : i32
      %select_n3A_101 = arith.constant true
      %select_n3A_102 = arith.select %select_n3A_101, %sub3A_100, %scan3A_98#5 : i32
      %eq3A_103 = arith.constant -1 : i32
      %eq3A_104 = arith.cmpi eq, %select_n3A_102, %eq3A_103 : i32
      %select_n3A_105 = arith.constant 0 : i32
      %select_n3A_106 = arith.select %eq3A_104, %select_n3A_105, %select_n3A_102 : i32
      %sub3A_107 = arith.constant 1 : i32
      %sub3A_108 = arith.subi %scan3A_98#4, %sub3A_107 : i32
      %select_n3A_109 = arith.select %eq3A_104, %sub3A_108, %scan3A_98#4 : i32
      %eq3A_110 = arith.constant -1 : i32
      %eq3A_111 = arith.cmpi eq, %select_n3A_109, %eq3A_110 : i32
      %select_n3A_112 = arith.constant 19 : i32
      %select_n3A_113 = arith.select %eq3A_111, %select_n3A_112, %select_n3A_109 : i32
      %add3A_114 = arith.constant 0 : i32
      %add3A_115 = arith.addi %select_n3A_113, %add3A_114 : i32
      %add3A_116 = arith.constant 0 : i32
      %add3A_117 = arith.addi %add3A_116, %mul3A_6 : i32
      %select_n3A_118 = arith.constant true
      %select_n3A_119 = arith.constant 0 : i32
      %select_n3A_120 = arith.constant -1 : i32
      %select_n3A_121 = arith.select %select_n3A_118, %select_n3A_120, %select_n3A_119 : i32
      %eq3A_122 = arith.constant -1 : i32
      %eq3A_123 = arith.cmpi eq, %select_n3A_121, %eq3A_122 : i32
      %select_n3A_124 = arith.constant 0 : i32
      %select_n3A_125 = arith.select %eq3A_123, %select_n3A_124, %select_n3A_121 : i32
      %sub3A_126 = arith.constant 1 : i32
      %sub3A_127 = arith.subi %select_n3A_113, %sub3A_126 : i32
      %select_n3A_128 = arith.select %eq3A_123, %sub3A_127, %select_n3A_113 : i32
      %eq3A_129 = arith.constant -1 : i32
      %eq3A_130 = arith.cmpi eq, %select_n3A_128, %eq3A_129 : i32
      %select_n3A_131 = arith.constant 19 : i32
      %select_n3A_132 = arith.select %eq3A_130, %select_n3A_131, %select_n3A_128 : i32
      %add3A_133 = arith.constant 0 : i32
      %add3A_134 = arith.addi %select_n3A_132, %add3A_133 : i32
      %add3A_135 = arith.constant 0 : i32
      %add3A_136 = arith.addi %add3A_135, %mul3A_6 : i32
      %select_n3A_137 = arith.constant true
      %select_n3A_138 = arith.constant 0 : i32
      %select_n3A_139 = arith.constant 1 : i32
      %select_n3A_140 = arith.select %select_n3A_137, %select_n3A_139, %select_n3A_138 : i32
      %eq3A_141 = arith.constant 1 : i32
      %eq3A_142 = arith.cmpi eq, %select_n3A_140, %eq3A_141 : i32
      %select_n3A_143 = arith.constant 0 : i32
      %select_n3A_144 = arith.select %eq3A_142, %select_n3A_143, %select_n3A_140 : i32
      %add3A_145 = arith.constant 1 : i32
      %add3A_146 = arith.addi %select_n3A_113, %add3A_145 : i32
      %select_n3A_147 = arith.select %eq3A_142, %add3A_146, %select_n3A_113 : i32
      %eq3A_148 = arith.constant 20 : i32
      %eq3A_149 = arith.cmpi eq, %select_n3A_147, %eq3A_148 : i32
      %select_n3A_150 = arith.constant 0 : i32
      %select_n3A_151 = arith.select %eq3A_149, %select_n3A_150, %select_n3A_147 : i32
      %add3A_152 = arith.constant 0 : i32
      %add3A_153 = arith.addi %select_n3A_151, %add3A_152 : i32
      %add3A_154 = arith.constant 0 : i32
      %add3A_155 = arith.addi %add3A_154, %mul3A_6 : i32
      %select_n3A_156 = arith.constant true
      %select_n3A_157 = arith.constant 0 : i32
      %select_n3A_158 = arith.constant 1 : i32
      %select_n3A_159 = arith.select %select_n3A_156, %select_n3A_158, %select_n3A_157 : i32
      %eq3A_160 = arith.constant 1 : i32
      %eq3A_161 = arith.cmpi eq, %select_n3A_159, %eq3A_160 : i32
      %select_n3A_162 = arith.constant 0 : i32
      %select_n3A_163 = arith.select %eq3A_161, %select_n3A_162, %select_n3A_159 : i32
      %add3A_164 = arith.constant 1 : i32
      %add3A_165 = arith.addi %select_n3A_151, %add3A_164 : i32
      %select_n3A_166 = arith.select %eq3A_161, %add3A_165, %select_n3A_151 : i32
      %eq3A_167 = arith.constant 20 : i32
      %eq3A_168 = arith.cmpi eq, %select_n3A_166, %eq3A_167 : i32
      %select_n3A_169 = arith.constant 0 : i32
      %select_n3A_170 = arith.select %eq3A_168, %select_n3A_169, %select_n3A_166 : i32
      %add3A_171 = arith.constant 0 : i32
      %add3A_172 = arith.addi %select_n3A_170, %add3A_171 : i32
      %add3A_173 = arith.constant 0 : i32
      %add3A_174 = arith.addi %add3A_173, %mul3A_6 : i32
      "tpu.trace_start"() <{level = 10 : i32, message = "ep_finalize"}> : () -> ()
      %rem3A_175 = arith.constant 2 : i32
      %rem3A_176 = arith.remui %scan3A_98#3, %rem3A_175 : i32
      %mul3A_177 = arith.constant 1 : i32
      %mul3A_178 = arith.muli %mul3A_177, %add3A_115 : i32
      %mul3A_179 = arith.constant 512 : i32
      %mul3A_180 = arith.muli %mul3A_179, %add3A_117 : i32
      %dma_wait3A = arith.constant 0 : i32
      %dma_wait3A_181 = arith.constant 0 : i32
      %dma_wait3A_182 = arith.constant 0 : i32
      %dma_wait3A_183 = tpu.memref_slice %run_scoped3A_8[%rem3A_176, %dma_wait3A, %dma_wait3A_181, %dma_wait3A_182] : memref<2x1x512x64xf32, #tpu.memory_space<vmem>> -> memref<1x1x512x64xf32, #tpu.memory_space<vmem>>
      %dma_wait3A_184 = tpu.memref_squeeze %dma_wait3A_183 : memref<1x1x512x64xf32, #tpu.memory_space<vmem>> -> memref<1x512x64xf32, #tpu.memory_space<vmem>>
      %dma_wait3A_185 = arith.constant 0 : i32
      %dma_wait3A_186 = tpu.memref_slice %arg4[%mul3A_178, %mul3A_180, %dma_wait3A_185] : memref<20x16384x64xf32, #tpu.memory_space<hbm>> -> memref<1x512x64xf32, #tpu.memory_space<hbm>>
      %dma_wait3A_187 = tpu.memref_slice %run_scoped3A_9[%rem3A_176] : memref<2x!tpu.dma_semaphore, #tpu.memory_space<semaphore_mem>> -> memref<1x!tpu.dma_semaphore, #tpu.memory_space<semaphore_mem>>
      %dma_wait3A_188 = tpu.memref_squeeze %dma_wait3A_187 : memref<1x!tpu.dma_semaphore, #tpu.memory_space<semaphore_mem>> -> memref<!tpu.dma_semaphore, #tpu.memory_space<semaphore_mem>>
      %dma_wait3A_189 = arith.constant 0 : i32
      %dma_wait3A_190 = tpu.memref_slice %arg4[%mul3A_178, %mul3A_180, %dma_wait3A_189] : memref<20x16384x64xf32, #tpu.memory_space<hbm>> -> memref<1x512x64xf32, #tpu.memory_space<hbm>>
      %dma_wait3A_191 = arith.constant 0 : i32
      %dma_wait3A_192 = arith.constant 0 : i32
      %dma_wait3A_193 = arith.constant 0 : i32
      %dma_wait3A_194 = tpu.memref_slice %run_scoped3A_8[%rem3A_176, %dma_wait3A_191, %dma_wait3A_192, %dma_wait3A_193] : memref<2x1x512x64xf32, #tpu.memory_space<vmem>> -> memref<1x1x512x64xf32, #tpu.memory_space<vmem>>
      %dma_wait3A_195 = tpu.memref_squeeze %dma_wait3A_194 : memref<1x1x512x64xf32, #tpu.memory_space<vmem>> -> memref<1x512x64xf32, #tpu.memory_space<vmem>>
      tpu.wait_dma2 semaphore(%dma_wait3A_188 : memref<!tpu.dma_semaphore, #tpu.memory_space<semaphore_mem>>) src(%dma_wait3A_195 : memref<1x512x64xf32, #tpu.memory_space<vmem>>) dst(%dma_wait3A_190 : memref<1x512x64xf32, #tpu.memory_space<hbm>>)
      "tpu.trace_stop"() : () -> ()
      tpu.yield
    }) : () -> ()
    return
  }
}

module attributes {stable_mosaic.version = 14 : i64} {
  func.func @transpose_body(%arg0: i32, %arg1: memref<1x8192x128xf32, #tpu.memory_space<vmem>>, %arg2: memref<1x64x16384xf32, #tpu.memory_space<vmem>>) attributes {dimension_semantics = [#tpu.dimension_semantics<arbitrary>], iteration_bounds = array<i64: 20>, scalar_prefetch = 0 : i64, scratch_operands = 0 : i64, tpu.core_type = #tpu.core_type<tc>, window_params = [{transform_indices = @transform_0, window_bounds = array<i64: 1, 8192, 128>}, {transform_indices = @transform_1, window_bounds = array<i64: 1, 64, 16384>}]} {
    %get3A = arith.constant 0 : index
    %get3A_0 = arith.constant 0 : index
    %get3A_1 = arith.constant 0 : index
    %get3A_2 = vector.load %arg1[%get3A, %get3A_0, %get3A_1] : memref<1x8192x128xf32, #tpu.memory_space<vmem>>, vector<1x8192x128xf32>
    %get3A_3 = vector.shape_cast %get3A_2 : vector<1x8192x128xf32> to vector<8192x128xf32>
    %transpose3A = tpu.transpose %get3A_3, [1, 0] : vector<8192x128xf32> -> vector<128x8192xf32>
    %slice3A = vector.extract_strided_slice %transpose3A {offsets = [0, 0], sizes = [64, 8192], strides = [1, 1]} : vector<128x8192xf32> to vector<64x8192xf32>
    %slice3A_4 = vector.extract_strided_slice %transpose3A {offsets = [64, 0], sizes = [64, 8192], strides = [1, 1]} : vector<128x8192xf32> to vector<64x8192xf32>
    %concatenate3A = tpu.concatenate %slice3A, %slice3A_4 in 1 : vector<64x8192xf32>, vector<64x8192xf32> -> vector<64x16384xf32>
    %swap3A = arith.constant 0 : index
    %swap3A_5 = arith.constant 0 : index
    %swap3A_6 = arith.constant 0 : index
    %swap3A_7 = vector.load %arg2[%swap3A, %swap3A_5, %swap3A_6] : memref<1x64x16384xf32, #tpu.memory_space<vmem>>, vector<1x64x16384xf32>
    %swap3A_8 = vector.shape_cast %swap3A_7 : vector<1x64x16384xf32> to vector<64x16384xf32>
    %swap3A_9 = vector.shape_cast %concatenate3A : vector<64x16384xf32> to vector<1x64x16384xf32>
    tpu.vector_store %arg2[%swap3A, %swap3A_5, %swap3A_6], %swap3A_9 {strides = array<i32>} : memref<1x64x16384xf32, #tpu.memory_space<vmem>>, vector<1x64x16384xf32>,
    return
  }
  func.func @transform_0(%arg0: i32) -> (i32, i32, i32) {
    %c0_i32 = arith.constant 0 : i32
    %c0_i32_0 = arith.constant 0 : i32
    %c0_i32_1 = arith.constant 0 : i32
    return %arg0, %c0_i32, %c0_i32_0 : i32, i32, i32
  }
  func.func @transform_1(%arg0: i32) -> (i32, i32, i32) {
    %c0_i32 = arith.constant 0 : i32
    %c0_i32_0 = arith.constant 0 : i32
    %c0_i32_1 = arith.constant 0 : i32
    return %arg0, %c0_i32, %c0_i32_0 : i32, i32, i32
  }
}

</mosaic_0001>

<sc_bundles>
// kernel: kernel.4.cloned.1.call-start
scs
__scs_entry_jumppad:
0x0: {  	(pc) =	sbr.rel $0x88, $3  }
0x1: {  	(tag) =	ssettag $0x0;
	lr =	simm.s32 $0x1  }
0x2: {  	[smem:$0x3F9F] =	sst lr;
	_ =	strace $0xD0000000  }
0x3: {  	_ = 	snop  }
0x4: {  	_ = 	snop  }
0x5: {  	_ = 	snop  }
0x6: {  	_ = 	snop  }
0x7: {  	_ = 	snop  }
__scs_overlays_trampoline_lowered:
0x8: {  	[smem:$0x3FAE] =	sst s0  }
0x9: {  	[smem:$0x3FAF] =	sst s1  }
0xa: {  	[smem:$0x3FB0] =	sst s2  }
0xb: {  	[smem:$0x3FB1] =	sst s3  }
0xc: {  	[smem:$0x3FB2] =	sst s4  }
0xd: {  	[smem:$0x3FB3] =	sst s5  }
0xe: {  	[smem:$0x3FB4] =	sst s6  }
0xf: {  	[smem:$0x3FB5] =	sst s7  }
0x10: {  	[smem:$0x3FB6] =	sst s8  }
0x11: {  	[smem:$0x3FB7] =	sst s9;
	s0 =	simm.s32 @!p0 $0x0  }
0x12: {  	s1 =	sld [smem:$0x3F9D];
	s0 =	simm.s32 @p0 $0x1  }
0x13: {  	[smem:$0x3FB8] =	sst s0;
	s0 =	simm.s32 @!p1 $0x0  }
0x14: {  	s2 =	sld [smem:$0x3F9C];
	s0 =	simm.s32 @p1 $0x1  }
0x15: {  	[smem:$0x3FB9] =	sst s0;
	s0 =	simm.s32 @!p2 $0x0  }
0x16: {  	s3 =	sld [smem:$0x3FDB];
	s0 =	simm.s32 @p2 $0x1  }
0x17: {  	s4 =	simm.s32 $0x1BF5;
	[smem:$0x3FBB] =	sst s0  }
0x18: {  	s0 =	sld [smem:$0x3F9E];
	_ =	swait.ge [sflag:s4], $0x0  }
0x19: {  	s7 =	sld [smem:$0x3F9F]  }
0x1a: {  	s8 =	sadd.s32 $0xFFFFE003, lr  }
0x1b: {  	s9 =	sadd.s32 $0xFFFFFEF7, lr;
	s5 =	simm.s32 $0xFFFFFFFF;
	p2 =	slt.u32 s8, $0xFFFFF086  }
0x1c: {  	p1 =	slt.u32 s9, $0xF7A;
	s5 =	simm.s32 @!p2 $0x0  }
0x1d: {  	s5 =	simm.s32 @p1 $0x1;
	p0 =	seq.s32 s7, s2  }
0x1e: {  	s7 =	smul.u32 @!p0 $0xF7A, s2;
	p2 =	seq.s32 @!p0 s5, $0x0  }
0x1f: {  	s9 =	smul.u32 $0xF7A, s1;
	s8 =	simm.s32 @!p0 $0x1BF5;
	p2 =	por !p2, p0  }
0x20: {  	[sflag:s8] =	ssyncset.s32 @!p0 $0xFFFFF086;
	s6 =	sadd.s32 @!p0 s3, s7;
	s7 =	simm.s32 @!p0 $0x108  }
0x21: {  	s3 =	sadd.s32 s3, s9;
	s6 =	sadd.s32 @!p0 $0x88, s6;
	s7 =	simm.s32 @p2 $0x1082  }
0x22: {  	[simem:s7], [sflag:s8] =	dma.local @!p0 [hbm:s6], $0xF7A  }
0x23: {  	s9 =	sor.u32 $0xD0000000, s2;
	s6 =	simm.s32 $0x108;
	_ =	swait.ge @!p0 [sflag:s8], $0x0  }
0x24: {  	s3 =	sadd.s32 $0x88, s3;
	s6 =	simm.s32 @!p1 $0x1082;
	[sflag:s4] =	ssyncset.s32 $0xFFFFF086  }
0x25: {  	[simem:s6], [sflag:s4] =	dma.local [hbm:s3], $0xF7A  }
0x26: {  	[smem:$0x3F9F] =	sst s1;
	(tag) =	ssettag s2;
	_ =	strace s9  }
0x27: {  	s1 =	sld [smem:$0x3FAF]  }
0x28: {  	s2 =	sld [smem:$0x3FB0]  }
0x29: {  	s4 =	sld [smem:$0x3FB2]  }
0x2a: {  	p0 =	seq.s32 s5, $0x0;
	s5 =	sld [smem:$0x3FB3]  }
0x2b: {  	s6 =	sld [smem:$0x3FB4]  }
0x2c: {  	s7 =	sld [smem:$0x3FB5]  }
0x2d: {  	s3 =	simm.s32 $0x108;
	s8 =	sld [smem:$0x3FB6]  }
0x2e: {  	s3 =	simm.s32 @!p0 $0x1082;
	s9 =	sld [smem:$0x3FB7]  }
0x2f: {  	lr =	sadd.s32 s0, s3;
	s0 =	sld [smem:$0x3FAE]  }
0x30: {  	s3 =	sld [smem:$0x3FB1]  }
0x31: {  	[smem:$0x3FBA] =	sst s10  }
0x32: {  	s10 =	sld [smem:$0x3FB8];
	_ =	sdelay $0x3  }
0x33: {  	p0 =	seq.s32 s10, $0x1;
	s10 =	sld [smem:$0x3FBA];
	_ =	sdelay $0x3  }
0x34: {  	[smem:$0x3FBA] =	sst s10  }
0x35: {  	s10 =	sld [smem:$0x3FB9];
	_ =	sdelay $0x3  }
0x36: {  	p1 =	seq.s32 s10, $0x1;
	s10 =	sld [smem:$0x3FBA];
	_ =	sdelay $0x3  }
0x37: {  	[smem:$0x3FBA] =	sst s10  }
0x38: {  	s10 =	sld [smem:$0x3FBB]  }
0x39: {  	_ = 	snop;
	(pc) =	sbr.ind lr, $3  }
0x3a: {  	_ = 	snop  }
0x3b: {  	_ = 	snop  }
0x3c: {  	p2 =	seq.s32 s10, $0x1;
	s10 =	sld [smem:$0x3FBA]  }
0x3d: {  	_ =	shalt  }
0x3e: {  	_ =	shalt  }
0x3f: {  	_ =	shalt  }
0x40: {  	_ =	shalt  }
0x41: {  	_ =	shalt  }
0x42: {  	_ =	shalt  }
0x43: {  	_ =	shalt  }
0x44: {  	_ =	shalt  }
0x45: {  	_ =	shalt  }
0x46: {  	_ =	shalt  }
0x47: {  	_ =	shalt  }
0x48: {  	_ =	shalt  }
0x49: {  	_ =	shalt  }
0x4a: {  	_ =	shalt  }
0x4b: {  	_ =	shalt  }
0x4c: {  	_ =	shalt  }
0x4d: {  	_ =	shalt  }
0x4e: {  	_ =	shalt  }
0x4f: {  	_ =	shalt  }
0x50: {  	_ =	shalt  }
0x51: {  	_ =	shalt  }
0x52: {  	_ =	shalt  }
0x53: {  	_ =	shalt  }
0x54: {  	_ =	shalt  }
0x55: {  	_ =	shalt  }
0x56: {  	_ =	shalt  }
0x57: {  	_ =	shalt  }
0x58: {  	_ =	shalt  }
0x59: {  	_ =	shalt  }
0x5a: {  	_ =	shalt  }
0x5b: {  	_ =	shalt  }
0x5c: {  	_ =	shalt  }
0x5d: {  	_ =	shalt  }
0x5e: {  	_ =	shalt  }
0x5f: {  	_ =	shalt  }
0x60: {  	_ =	shalt  }
0x61: {  	_ =	shalt  }
0x62: {  	_ =	shalt  }
0x63: {  	_ =	shalt  }
0x64: {  	_ =	shalt  }
0x65: {  	_ =	shalt  }
0x66: {  	_ =	shalt  }
0x67: {  	_ =	shalt  }
0x68: {  	_ =	shalt  }
0x69: {  	_ =	shalt  }
0x6a: {  	_ =	shalt  }
0x6b: {  	_ =	shalt  }
0x6c: {  	_ =	shalt  }
0x6d: {  	_ =	shalt  }
0x6e: {  	_ =	shalt  }
0x6f: {  	_ =	shalt  }
0x70: {  	_ =	shalt  }
0x71: {  	_ =	shalt  }
0x72: {  	_ =	shalt  }
0x73: {  	_ =	shalt  }
0x74: {  	_ =	shalt  }
0x75: {  	_ =	shalt  }
0x76: {  	_ =	shalt  }
0x77: {  	_ =	shalt  }
0x78: {  	_ =	shalt  }
0x79: {  	_ =	shalt  }
0x7a: {  	_ =	shalt  }
0x7b: {  	_ =	shalt  }
0x7c: {  	_ =	shalt  }
0x7d: {  	_ =	shalt  }
0x7e: {  	_ =	shalt  }
0x7f: {  	_ =	shalt  }
0x80: {  	_ =	shalt  }
0x81: {  	_ =	shalt  }
0x82: {  	_ =	shalt  }
0x83: {  	_ =	shalt  }
0x84: {  	_ =	shalt  }
0x85: {  	_ =	shalt  }
0x86: {  	_ =	shalt  }
0x87: {  	_ =	shalt  }
.Lfunc_end0:
.L_simem_size_0:
called_computation_lowered:
.L_overlay_start_0:
0x88: {  	s2 =	sld [smem:$0x3FD9]  }
0x89: {  	s3 =	sld [smem:$0x3FFE];
	_ =	sdelay $0x1  }
0x8a: {  	s1 =	srdreg.scid  }
0x8b: {  	s0 =	sand.u32 $0x1, s1  }
0x8c: {  	s16 =	sshll.u32 s0, $0xA;
	s2 =	sadd.s32 s3, s2  }
0x8d: {  	s2 =	sadd.s32 s2, s16  }
0x8e: {  	[smem:$0x3FC6] =	sst s2  }
0x8f: {  	_ = 	snop  }
0x90: {  	(tm) =	ssettm $0x1  }
0x91: {  	s17 =	sld [smem:$0x3FFB];
	_ =	sdelay $0x3  }
0x92: {  	_ =	strace s17  }
0x93: {  	s2 =	sld [smem:$0x3FFC];
	_ =	sdelay $0x3  }
0x94: {  	_ =	strace s2  }
0x95: {  	s2 =	sld [smem:$0x3FFD];
	_ =	sdelay $0x3  }
0x96: {  	_ =	strace s2  }
0x97: {  	_ =	strace $0x8FFFFFFF  }
0x98: {  	s18 =	sld [smem:$0x3FDB];
	_ =	sdelay $0x1  }
0x99: {  	s19 =	simm.s32 $_scs_section_size  }
0x9a: {  	s4 =	simm.s32 $_size__tile_overlayer_lowered;
	s5 =	simm.s32 $_tile_overlayer_lowered  }
0x9b: {  	s22 =	simm.s32 $0x1BFF;
	s21 =	sshll.u32 s5, $0x1;
	s2 =	sadd.s32 s19, s18  }
0x9c: {  	s6 =	simm.s32 $0x0;
	s20 =	sshll.u32 s4, $0x1;
	s4 =	sadd.s32 s21, s2  }
0x9d: {  	[timem:s6], [sflag:s22] =	dma.local [hbm:s4], s20  }
0x9e: {  	_ =	swait.ge [sflag:s22], s20  }
0x9f: {  	s3 =	ssub.s32 $0x0, s20;
	[sflag:s22] =	ssyncset.done $0x0  }
0xa0: {  	[sflag:s22] =	ssyncadd.s32 s3;
	_ =	sdelay $0x1  }
0xa1: {  	s23 =	simm.s32 $0x1B8B  }
0xa2: {  	_ =	swait.ge [sflag:s23], $0x1  }
0xa3: {  	[sflag:s23] =	ssyncset.done $0x0  }
0xa4: {  	s25 =	simm.s32 $0x1B8E;
	s24 =	sld [smem:$0x3FFE];
	[sflag:s23] =	ssyncadd.s32 $0xFFFFFFFF  }
0xa5: {  	s26 =	simm.s32 $execute0_lowered;
	[smem:$0x3FD2] =	sst s25  }
0xa6: {  	s4 =	sshll.u32 s26, $0x1;
	_ =	strace $0x80000046;
	[dreg:$0x1] =	wrdreg $0xFFFFFFFF  }
0xa7: {  	s28 =	simm.s32 $_size_execute0_lowered;
	s2 =	sadd.s32 s2, s4;
	[dreg:$0x0] =	wrdreg $0x0  }
0xa8: {  	s4 =	sshll.u32 s28, $0x1;
	[dreg:$0x2] =	wrdreg s2  }
0xa9: {  	[dreg:$0x3] =	wrdreg s4  }
0xaa: {  	[dreg:$0x4] =	wrdreg $0xC0  }
0xab: {  	_ =	task [dreg:s6], $0x5FFFF  }
0xac: {  	[dreg:$0x1] =	wrdreg $0xFFFFFFFF  }
0xad: {  	[dreg:$0x0] =	wrdreg $0x60  }
0xae: {  	[dreg:$0x2] =	wrdreg s24  }
0xaf: {  	[dreg:$0x3] =	wrdreg $0x9  }
0xb0: {  	_ =	task.clear_ibuf [dreg:s6], $0x4FFFF;
	_ =	strace $0x90000046  }
0xb1: {  	s29 =	simm.s32 $0x9;
	_ =	strace $0x8000004F  }
0xb2: {  	_ =	swait.ge [sflag:s29], $0x1  }
0xb3: {  	[sflag:s29] =	ssyncadd.s32 $0xFFFFFFFF  }
0xb4: {  	_ =	strace $0x9000004F  }
0xb5: {  	_ =	sfence  }
0xb6: {  	s30 =	sld [smem:$0x0];
	_ =	sdelay $0x2  }
0xb7: {  	s31 =	sshll.u32 s1, $0xD;
	s1 =	sshrl.u32 s1, $0x2  }
0xb8: {  	s3 =	sand.u32 $0x4000, s31;
	s1 =	sadd.s32 s1, s30  }
0xb9: {  	s0 =	sor.u32 s3, s0;
	s1 =	sshll.u32 s1, $0x11  }
0xba: {  	s0 =	sor.u32 s1, s0  }
0xbb: {  	s0 =	sadd.s32 $0x8F2B, s0  }
0xbc: {  	[sflag:s0] =	ssyncadd.remote.s32 $0x1  }
0xbd: {  	_ =	sfence.sel $0xFFFF  }
0xbe: {  	[dreg:$0x0] =	wrdreg $0xFFFFFFFF;
	(pc) =	sbr.abs _section_cstart, $3  }
0xbf: {  	[dreg:$0x1] =	wrdreg $0xFFFFFFFF  }
0xc0: {  	_ =	task.clear_ibuf [dreg:s6], $0x2FFFF;
	_ =	strace $0x9FFFFFFF  }
0xc1: {  	(tm) =	ssettm $0x7FFFFFFF  }
tec
execute0_lowered:
.L_overlay_start_1:
0x0: {  	(tag) =	ssettag $0x1  }
0x1: {  	s2 =	rddreg [dreg:$0x0]  }
0x2: {  	s0 =	rddreg [dreg:$0x1];
	s1 =	simm.s32 $0x0  }
0x3: {  	s4 =	srdreg.scid;
	s8 =	simm.s32 $0x200;
	s9 =	simm.s32 $0x4  }
0x4: {  	s10 =	simm.s32 $0x0;
	[smem:$0x7FF] =	sst s1;
	s3 =	sadd.s32 $0xA400, s2  }
0x5: {  	s5 =	sadd.s32 $0xCDA00, s2;
	s4 =	sand.u32 $0x1, s4;
	_ =	strace $0x80000047  }
0x6: {  	[dreg:$0x2] =	wrdreg s3;
	s3 =	sadd.s32 $0x400, s2;
	s2 =	stileid.u32  }
0x7: {  	s6 =	ssub.s32 $0x2, s4;
	s4 =	sshll.u32 s4, $0xD;
	[dreg:$0x5] =	wrdreg s5  }
0x8: {  	[dreg:$0x3] =	wrdreg s8;
	s7 =	sshll.u32 s2, $0x9;
	s30 =	sshrl.u32 s6, $0x1  }
0x9: {  	s8 =	simm.s32 $0x5;
	s4 =	sor.u32 s7, s4;
	s6 =	ssub.s32 s6, s30  }
0xa: {  	s31 =	sshrl.u32 s4, $0x3;
	s7 =	sshll.u32 s4, $0x6;
	s6 =	smax.u32 s6, $0x1  }
0xb: {  	s5 =	sadd.s32 s3, s31;
	[dreg:$0x4] =	wrdreg s7;
	s7 =	simm.s32 $0x1  }
.LBB2_1:
0xc: {  	_ =	strace $0x80000048;
	s11 =	simm.s32 $0x1;
	p0 =	por $0x0, $0x0  }
0xd: {  	[tilespmem:s1], [sflag:$0x1] =	stream.linear.gather [hbm4b:s5+s1], $0x200, $0x200038;
	[tilespmem:$0x10400] =	vst v63  }
0xe: {  	s11 =	simm.s32 @p0 $0x0  }
0xf: {  	p5 =	por $0x1, $0x1;
	p1 =	sne.s32 s11, $0x0  }
0x10: {  	p0 =	por !p5, !p1  }
0x11: {  	s20 =	sand.u32 $0x1, s1;
	p2 =	por $0x1, $0x1;
	p0 =	por !p0, !p0  }
0x12: {  	s29 =	simm.s32 $0x0;
	p3 =	por $0x0, $0x0;
	s12 =	sshll.u32 @p0 s11, $0xE  }
0x13: {  	_ =	strace $0x90000048;
	s13 =	sand.u32 @p0 $0x1, s7;
	s12 =	sor.u32 @p0 s4, s12  }
0x14: {  	s14 =	simm.s32 @p0 $0x0;
	_ =	strace @p0 $0x80000049;
	s12 =	sshrl.u32 @p0 s12, $0x3  }
0x15: {  	s15 =	sshll.u32 @p0 s13, $0x9;
	s13 =	sadd.s32 @p0 $0x1, s13;
	s12 =	sadd.s32 @p0 s3, s12  }
0x16: {  	[tilespmem:s15], [sflag:s13] =	stream.linear.gather @p0 [hbm4b:s12+s14], $0x200, $0x200038;
	[tilespmem:$0x10400] =	vst v63  }
0x17: {  	p4 =	por $0x0, $0x0;
	p6 =	por $0x1, $0x1;
	_ =	strace @p0 $0x90000049  }
0x18: {  	s26 =	sadd.s32 $0x1, s20;
	s30 =	sshll.u32 s20, $0xF;
	_ =	strace $0x8000004A  }
0x19: {  	s19 =	sand.u32 @!p2 $0x1, s1;
	p2 =	por p2, p2;
	_ =	swait.ge [sflag:s26], $0x200  }
0x1a: {  	s31 =	sand.u32 $0x200, s29;
	s22 =	sor.u32 $0x400, s30;
	[sflag:s26] =	ssyncset.done $0x0  }
0x1b: {  	s21 =	sadd.s32 @!p2 $0x3, s19;
	s19 =	simm.s32 $0x1;
	[sflag:s26] =	ssyncadd.s32 $0xFFFFFE00  }
0x1c: {  	s19 =	simm.s32 @!p4 $0x0;
	p5 =	por p3, p1;
	_ =	strace $0x9000004A  }
0x1d: {  	s28 =	simm.s32 @p5 $0x0;
	s12 =	simm.s32 $0x13;
	_ =	strace $0x8000004B  }
0x1e: {  	s13 =	simm.s32 $0x1;
	s15 =	simm.s32 $0x12;
	s17 =	rddreg [dreg:$0x2]  }
0x1f: {  	s13 =	simm.s32 @!p0 $0x0;
	p0 =	por $0x0, $0x0;
	s18 =	rddreg [dreg:$0x3]  }
0x20: {  	[tilespmem:s22], [sflag:$0x5] =	stream.indirect.gather [hbm4b:s17+s18], $0x40, s31, s18, $0x2000b8;
	[tilespmem:$0x10400] =	vst v63  }
0x21: {  	s16 =	sadd.s32 $0x1, s13;
	s18 =	sadd.s32 $0x1, s11;
	_ =	swait.ge [sflag:s8], $0x8000  }
0x22: {  	s13 =	simm.s32 $0x1;
	p4 =	seq.s32 s18, $0x14;
	[sflag:s8] =	ssyncset.done $0x0  }
0x23: {  	s13 =	simm.s32 @!p5 $0x0;
	s18 =	simm.s32 @p4 $0x0;
	[sflag:s8] =	ssyncadd.s32 $0xFFFF8000  }
0x24: {  	s14 =	sadd.s32 $0x0, s13;
	p1 =	sne.s32 s11, s18;
	_ =	strace $0x9000004B  }
0x25: {  	s17 =	sadd.s32 $0x0, s13;
	p3 =	por !p6, !p1;
	_ =	strace @p5 $0x8000004C  }
0x26: {  	s13 =	simm.s32 $0x0;
	p3 =	por !p3, !p3;
	s24 =	rddreg [dreg:$0x4]  }
0x27: {  	s23 =	sshll.u32 @p3 s18, $0xE;
	s25 =	sand.u32 @p3 $0x1, s16;
	s26 =	rddreg [dreg:$0x5]  }
.LBB2_2:
0x28: {  	s29 =	sor.u32 @p3 s4, s23;
	s28 =	sor.u32 @p5 s24, s28;
	s23 =	smov.u32 s11  }
0x29: {  	s20 =	sadd.s32 @p5 $0x3, s20;
	s11 =	sshrl.u32 @p3 s29, $0x3;
	s28 =	sshrl.u32 @p5 s28, $0x3  }
0x2a: {  	s29 =	sadd.s32 @p3 s3, s11;
	s11 =	sadd.s32 @p5 s26, s28;
	s26 =	simm.s32 @p5 $0x0  }
0x2b: {  	[hbm4b:s11+s26] =	stream.linear.scatter @p5 [tilespmem:s22], [sflag:s20], $0x8000, $0x200038;
	[tilespmem:$0x10400] =	vst v63  }
0x2c: {  	_ =	strace @p5 $0x9000004C  }
0x2d: {  	s30 =	simm.s32 $0x1;
	_ =	strace @!p2 $0x8000004D  }
0x2e: {  	s24 =	smov.u32 s12;
	s12 =	smov.u32 s15;
	_ =	swait.ge @!p2 [sflag:s21], $0x8000  }
0x2f: {  	s31 =	sand.u32 $0x1, s14;
	s15 =	sadd.s32 $0xFFFFFFFF, s15;
	[sflag:s21] =	ssyncset.done @!p2 $0x0  }
0x30: {  	s13 =	sadd.s32 s19, s13;
	s30 =	simm.s32 @!p3 $0x0;
	[sflag:s21] =	ssyncadd.s32 @!p2 $0xFFFF8000  }
0x31: {  	p4 =	sne.s32 s15, $0x0;
	s22 =	simm.s32 @p3 $0x0;
	_ =	strace @!p2 $0x9000004D  }
0x32: {  	s21 =	sshll.u32 @p3 s25, $0x9;
	s25 =	sadd.s32 @p3 $0x1, s25;
	_ =	strace @p3 $0x80000049  }
0x33: {  	[tilespmem:s21], [sflag:s25] =	stream.linear.gather @p3 [hbm4b:s29+s22], $0x200, $0x200038;
	[tilespmem:$0x10400] =	vst v63  }
0x34: {  	s19 =	sand.u32 @!p0 $0x1, s13;
	s16 =	sadd.s32 s30, s16;
	_ =	strace @p3 $0x90000049  }
0x35: {  	s26 =	sshll.u32 s14, $0x9;
	s20 =	sadd.s32 $0x1, s31;
	_ =	strace $0x8000004A  }
0x36: {  	s11 =	smov.u32 s18;
	s18 =	sadd.s32 $0x1, s18;
	_ =	swait.ge [sflag:s20], $0x200  }
0x37: {  	s26 =	sand.u32 $0x200, s26;
	p6 =	seq.s32 s18, $0x14;
	[sflag:s20] =	ssyncset.done $0x0  }
0x38: {  	p5 =	sne.s32 s24, $0x14;
	s18 =	simm.s32 @p6 $0x0;
	[sflag:s20] =	ssyncadd.s32 $0xFFFFFE00  }
0x39: {  	p6 =	sne.s32 s12, $0x1;
	p2 =	por p0, p0;
	_ =	strace $0x9000004A  }
0x3a: {  	p0 =	seq.s32 s12, $0x14;
	s20 =	sand.u32 $0x1, s17;
	_ =	strace $0x8000004B  }
0x3b: {  	s21 =	sadd.s32 @!p2 $0x3, s19;
	s30 =	sshll.u32 s20, $0xF;
	s29 =	rddreg [dreg:$0x2]  }
0x3c: {  	s19 =	simm.s32 $0x1;
	s22 =	sor.u32 $0x400, s30;
	s31 =	rddreg [dreg:$0x3]  }
0x3d: {  	[tilespmem:s22], [sflag:$0x5] =	stream.indirect.gather [hbm4b:s29+s31], $0x40, s26, s31, $0x2000b8;
	[tilespmem:$0x10400] =	vst v63  }
0x3e: {  	s25 =	simm.s32 $0x1;
	p3 =	seq.s32 s24, $0x1;
	_ =	swait.ge [sflag:s8], $0x8000  }
0x3f: {  	s19 =	simm.s32 @!p5 $0x0;
	p5 =	por p3, p1;
	[sflag:s8] =	ssyncset.done $0x0  }
.Ltmp0:
0x40: {  	p1 =	sne.s32 s11, s18;
	[sflag:s8] =	ssyncadd.s32 $0xFFFF8000;
	(pc) =	sbr.rel @p4 .LBB2_2-.Ltmp0, $4  }
0x41: {  	s25 =	simm.s32 @!p5 $0x0;
	p3 =	por !p6, !p1;
	_ =	strace $0x9000004B  }
0x42: {  	s28 =	sshll.u32 @p5 s23, $0x14;
	s14 =	sadd.s32 s25, s14;
	_ =	strace @p5 $0x8000004C  }
0x43: {  	p3 =	por !p3, !p3;
	s17 =	sadd.s32 s25, s17;
	s24 =	rddreg [dreg:$0x4]  }
0x44: {  	s23 =	sshll.u32 @p3 s18, $0xE;
	s25 =	sand.u32 @p3 $0x1, s16;
	s26 =	rddreg [dreg:$0x5]  }
0x45: {  	s15 =	sor.u32 @p5 s24, s28  }
0x46: {  	s15 =	sshrl.u32 @p5 s15, $0x3  }
0x47: {  	s16 =	sadd.s32 @p5 $0x3, s20;
	s18 =	simm.s32 @p5 $0x0;
	s15 =	sadd.s32 @p5 s26, s15  }
0x48: {  	[hbm4b:s15+s18] =	stream.linear.scatter @p5 [tilespmem:s22], [sflag:s16], $0x8000, $0x200038;
	[tilespmem:$0x10400] =	vst v63  }
0x49: {  	_ =	strace @p5 $0x9000004C  }
0x4a: {  	_ =	strace @!p2 $0x8000004D  }
0x4b: {  	_ =	swait.ge @!p2 [sflag:s21], $0x8000  }
0x4c: {  	[sflag:s21] =	ssyncset.done @!p2 $0x0  }
0x4d: {  	s20 =	sadd.s32 @p3 $0x1, s25;
	s15 =	sor.u32 @p3 s4, s23;
	[sflag:s21] =	ssyncadd.s32 @!p2 $0xFFFF8000  }
0x4e: {  	s16 =	simm.s32 @p3 $0x0;
	s15 =	sshrl.u32 @p3 s15, $0x3;
	_ =	strace @!p2 $0x9000004D  }
0x4f: {  	s18 =	sshll.u32 @p3 s25, $0x9;
	s15 =	sadd.s32 @p3 s3, s15;
	_ =	strace @p3 $0x80000049  }
0x50: {  	[tilespmem:s18], [sflag:s20] =	stream.linear.gather @p3 [hbm4b:s15+s16], $0x200, $0x200038;
	[tilespmem:$0x10400] =	vst v63  }
0x51: {  	s26 =	sand.u32 $0x1, s14;
	_ =	strace @p3 $0x90000049  }
0x52: {  	s15 =	sadd.s32 $0x1, s26;
	_ =	strace $0x8000004A  }
0x53: {  	_ =	swait.ge [sflag:s15], $0x200  }
0x54: {  	[sflag:s15] =	ssyncset.done $0x0  }
0x55: {  	[sflag:s15] =	ssyncadd.s32 $0xFFFFFE00  }
0x56: {  	_ =	strace $0x9000004A  }
0x57: {  	s16 =	sand.u32 $0x1, s17;
	_ =	strace $0x8000004B  }
0x58: {  	s30 =	sshll.u32 s14, $0x9;
	s31 =	sshll.u32 s16, $0xF;
	s28 =	rddreg [dreg:$0x2]  }
0x59: {  	s14 =	sand.u32 $0x200, s30;
	s18 =	sor.u32 $0x400, s31;
	s29 =	rddreg [dreg:$0x3]  }
0x5a: {  	[tilespmem:s18], [sflag:$0x5] =	stream.indirect.gather [hbm4b:s28+s29], $0x40, s14, s29, $0x2000b8;
	[tilespmem:$0x10400] =	vst v63  }
0x5b: {  	_ =	swait.ge [sflag:s8], $0x8000  }
0x5c: {  	[sflag:s8] =	ssyncset.done $0x0  }
0x5d: {  	p6 =	seq.s32 s12, $0x1;
	[sflag:s8] =	ssyncadd.s32 $0xFFFF8000  }
0x5e: {  	p1 =	por p6, p1;
	_ =	strace $0x9000004B  }
0x5f: {  	_ =	strace @p1 $0x8000004C  }
0x60: {  	s11 =	sshll.u32 @p1 s11, $0x14;
	s12 =	rddreg [dreg:$0x4]  }
0x61: {  	s11 =	sor.u32 @p1 s12, s11  }
0x62: {  	s14 =	rddreg [dreg:$0x5];
	s12 =	sadd.s32 s19, s13;
	s11 =	sshrl.u32 @p1 s11, $0x3  }
0x63: {  	s13 =	sadd.s32 @p1 $0x3, s16;
	s11 =	sadd.s32 @p1 s14, s11;
	s14 =	simm.s32 @p1 $0x0  }
0x64: {  	[hbm4b:s11+s14] =	stream.linear.scatter @p1 [tilespmem:s18], [sflag:s13], $0x8000, $0x200038;
	[tilespmem:$0x10400] =	vst v63  }
0x65: {  	s11 =	sand.u32 @!p0 $0x1, s12;
	p0 =	por p0, p0;
	_ =	strace @p1 $0x9000004C  }
0x66: {  	s11 =	sadd.s32 @!p0 $0x3, s11;
	_ =	strace @!p0 $0x8000004D  }
0x67: {  	_ =	swait.ge @!p0 [sflag:s11], $0x8000  }
0x68: {  	[sflag:s11] =	ssyncset.done @!p0 $0x0  }
0x69: {  	s10 =	sadd.s32 $0x1, s10;
	[sflag:s11] =	ssyncadd.s32 @!p0 $0xFFFF8000  }
0x6a: {  	_ =	strace @!p0 $0x9000004D;
	p0 =	sne.s32 s10, s6  }
.Ltmp1:
0x6b: {  	_ =	strace $0x8000004E;
	(pc) =	sbr.rel @p0 .LBB2_1-.Ltmp1, $4  }
0x6c: {  	_ =	swait.ge [sflag:s9], $0x8000  }
0x6d: {  	[sflag:s9] =	ssyncset.done $0x0  }
0x6e: {  	[sflag:s9] =	ssyncadd.s32 $0xFFFF8000  }
0x6f: {  	_ =	strace $0x9000004E  }
0x70: {  	_ =	sfence.sel $0x180000  }
0x71: {  	[bflag:$0x0] =	sbarrier.arrive $0xFFFF  }
0x72: {  	p0 =	sne.s32 s2, $0x0;
	_ =	strace $0x90000047  }
0x73: {  	s0 =	sadd.s32 @!p0 $0x100000, s0;
	[bflag:$0x2] =	sbarrier.arrive $0xFFFF  }
0x74: {  	[sflag:s0] =	ssyncadd.tile.s32 @!p0 $0x1;
	_ =	shalt  }
.Lfunc_end2:
_tile_overlayer_lowered:
.L_overlay_start_2:
0x75: {  	(tag) =	ssettag $0x2  }
0x76: {  	s0 =	rddreg [dreg:$0x0];
	s2 =	stileid.u32  }
0x77: {  	s1 =	rddreg [dreg:$0x1];
	p0 =	sne.s32 s2, $0x0  }
0x78: {  	s3 =	rddreg [dreg:$0x2];
	[bflag:$0x3] =	sbarrier.arrive $0xFFFF;
	s2 =	simm.s32 @!p0 $0x1C01  }
0x79: {  	[timem:s3], [sflag:s2] =	dma.local @!p0 [hbm:s0], s1  }
0x7a: {  	s0 =	simm.s32 @!p0 $0x1  }
0x7b: {  	_ =	swait.ge @!p0 [sflag:s0], s1  }
0x7c: {  	s1 =	ssub.s32 @!p0 $0x0, s1;
	[sflag:s0] =	ssyncset.done @!p0 $0x0  }
0x7d: {  	[sflag:s0] =	ssyncadd.s32 @!p0 s1  }
0x7e: {  	[bflag:$0x3] =	sbarrier.arrive $0xFFFF  }
0x7f: {  	_ =	shalt  }

</sc_bundles>
